<compile_context>
chip_gen: v7x
topology: tpu7x:2x2x1
jax: 0.10.2.dev20260603
libtpu: 0.0.44.dev20260713+nightly
codegen_flags: <defaults>
</compile_context>

<pallas_src>
import jax
import jax.numpy as jnp
import numpy as np
from jax import lax
from jax.experimental import pallas as pl
from jax.experimental.pallas import tpu as pltpu
from jax.experimental.pallas import tpu_sc as plsc

_H = 1024
_W = 1024
_N = 4_000_000
_PAD = 8

_NC = 2
_NS = 16
_NW = _NC * _NS

_HALF = _N // _NC
_B1_ROWS = _H // _NS
_B1_PIX = _B1_ROWS * _W
_CHUNK = 8000
_NCHUNK = _HALF // _CHUNK
_NVEC = _CHUNK // 16

_B2_ROWS = _H // _NW
_B2_PIX = _B2_ROWS * _W
_WIN = 2048
_NWIN = _B2_PIX // _WIN


def _scan_body(y_hbm, x_hbm, w_hbm, y0, x0, y1, x1, wband, sem0, sem1):
    cid = lax.axis_index("c")
    tid = lax.axis_index("s")
    iota = lax.iota(jnp.int32, 16)
    empty = iota & (_PAD - 1)
    lane_bit = lax.convert_element_type(
        lax.bitcast_convert_type(lax.shift_left(iota + 127, 23), jnp.float32),
        jnp.int32)
    lane_thr = lane_bit + lane_bit
    zeros16 = iota & 0
    pt_base = cid * _HALF

    def init_body(i, _):
        wband[pl.ds(i * 16, 16)] = empty
        return 0

    lax.fori_loop(0, _B1_PIX // 16, init_body, 0)

    def issue(c, yb, xb, sem):
        base = pt_base + c * _CHUNK
        pltpu.async_copy(y_hbm.at[pl.ds(base, _CHUNK)], yb, sem)
        pltpu.async_copy(x_hbm.at[pl.ds(base, _CHUNK)], xb, sem)

    def drain(yb, xb, sem):
        pltpu.make_async_copy(y_hbm.at[pl.ds(0, _CHUNK)], yb, sem).wait()
        pltpu.make_async_copy(x_hbm.at[pl.ds(0, _CHUNK)], xb, sem).wait()

    def compute(c, yb, xb):
        idx_base = pt_base + c * _CHUNK + _PAD

        def one_vec(v):
            yv = yb[pl.ds(v * 16, 16)]
            xv = xb[pl.ds(v * 16, 16)]
            m = lax.shift_right_logical(yv, 6) == tid
            pix = (yv & (_B1_ROWS - 1)) * _W + xv
            pixc = jnp.where(m, pix, 0)
            plsc.store_scatter(wband, [pixc], zeros16, mask=m)
            plsc.addupdate_scatter(wband, [pixc], lane_bit, mask=m)
            got = plsc.load_gather(wband, [pixc], mask=m)
            keep = m & (got < lane_thr)
            val = (idx_base + v * 16) + iota
            plsc.store_scatter(wband, [pixc], val, mask=keep)

        def vec_body(i, _):
            one_vec(4 * i)
            one_vec(4 * i + 1)
            one_vec(4 * i + 2)
            one_vec(4 * i + 3)
            return 0

        lax.fori_loop(0, _NVEC // 4, vec_body, 0)

    issue(0, y0, x0, sem0)

    def pair_body(i, _):
        drain(y0, x0, sem0)
        issue(2 * i + 1, y1, x1, sem1)
        compute(2 * i, y0, x0)
        drain(y1, x1, sem1)

        @pl.when(2 * i + 2 < _NCHUNK)
        def _():
            issue(2 * i + 2, y0, x0, sem0)

        compute(2 * i + 1, y1, x1)
        return 0

    lax.fori_loop(0, _NCHUNK // 2, pair_body, 0)

    out_off = cid * (_H * _W) + tid * _B1_PIX
    pltpu.sync_copy(wband, w_hbm.at[pl.ds(out_off, _B1_PIX)])


def _merge_body(w_hbm, col_hbm, out_hbm, w0b, w1b, idxb, rows, sem):
    wid = lax.axis_index("s") * _NC + lax.axis_index("c")
    band_px = wid * _B2_PIX

    def win_body(g, _):
        px = band_px + g * _WIN
        pltpu.sync_copy(w_hbm.at[pl.ds(px, _WIN)], w0b)
        pltpu.sync_copy(w_hbm.at[pl.ds(_H * _W + px, _WIN)], w1b)

        def vec_body(v, _):
            a = w0b[pl.ds(v * 16, 16)]
            b = w1b[pl.ds(v * 16, 16)]
            mx = jnp.maximum(a, b)
            idxb[pl.ds(v * 16, 16)] = mx
            idxb[pl.ds(_WIN + v * 16, 16)] = mx + (_N + _PAD)
            idxb[pl.ds(2 * _WIN + v * 16, 16)] = mx + 2 * (_N + _PAD)
            return 0

        lax.fori_loop(0, _WIN // 16, vec_body, 0)
        for j in range(3 * _WIN // 128):
            pltpu.async_copy(col_hbm.at[idxb.at[pl.ds(j * 128, 128)]],
                             rows.at[pl.ds(j * 128, 128)], sem)
        for _ in range(3 * _WIN // 128):
            pltpu.make_async_copy(col_hbm.at[idxb.at[pl.ds(0, 128)]],
                                  rows.at[pl.ds(0, 128)], sem).wait()
        for ch in range(3):
            pltpu.sync_copy(rows.at[pl.ds(ch * _WIN, _WIN)],
                            out_hbm.at[pl.ds(ch * (_H * _W) + px, _WIN)])
        return 0

    lax.fori_loop(0, _NWIN, win_body, 0)


def _mesh():
    return plsc.VectorSubcoreMesh(core_axis_name="c", subcore_axis_name="s",
                                  num_cores=_NC, num_subcores=_NS)


@jax.jit
def _scan(y, x):
    mesh = _mesh()
    scan = pl.kernel(
        _scan_body,
        out_type=jax.ShapeDtypeStruct((_NC * _H * _W,), jnp.int32),
        mesh=mesh,
        compiler_params=pltpu.CompilerParams(needs_layout_passes=False),
        scratch_types=[
            pltpu.VMEM((_CHUNK,), jnp.int32),
            pltpu.VMEM((_CHUNK,), jnp.int32),
            pltpu.VMEM((_CHUNK,), jnp.int32),
            pltpu.VMEM((_CHUNK,), jnp.int32),
            pltpu.VMEM((_B1_PIX,), jnp.int32),
            pltpu.SemaphoreType.DMA,
            pltpu.SemaphoreType.DMA,
        ],
    )
    return scan(y, x)


@jax.jit
def _merge(w, colors_pad):
    mesh = _mesh()
    merge = pl.kernel(
        _merge_body,
        out_type=jax.ShapeDtypeStruct((3 * _H * _W,), jnp.float32),
        mesh=mesh,
        compiler_params=pltpu.CompilerParams(needs_layout_passes=False),
        scratch_types=[
            pltpu.VMEM((_WIN,), jnp.int32),
            pltpu.VMEM((_WIN,), jnp.int32),
            pltpu.VMEM((3 * _WIN,), jnp.int32),
            pltpu.VMEM((3 * _WIN,), jnp.float32),
            pltpu.SemaphoreType.DMA,
        ],
    )
    return merge(w, colors_pad)


def kernel(y, x, colors, height, width):
    zero_off = (jnp.asarray(height) - _H) + (jnp.asarray(width) - _W)
    y = (y + zero_off.astype(y.dtype)).astype(jnp.int32)
    x = (x + zero_off.astype(x.dtype)).astype(jnp.int32)
    colors_pad = jnp.pad(colors, ((_PAD, 0), (0, 0))).T.reshape(-1)
    out = _merge(_scan(y, x), colors_pad)
    return out.reshape(3, _H, _W).transpose(1, 2, 0)

# --- scband reference (transcript-rebuilt; emitter-appended) ---
"""Pipeline reference for scband-projector-19954418057848 (READ-ONLY COPY).

The authoritative reference and input builder live on the scoring server;
editing this copy changes nothing except your own understanding.
"""

import jax, jax.numpy as jnp
import numpy as np

N = 4000000
HEIGHT = 1024
WIDTH = 1024


def setup_inputs(seed: int = 0) -> dict:
    key = jax.random.key(seed)
    k1, k2, k3 = jax.random.split(key, 3)
    y = jax.random.randint(k1, (N,), 0, HEIGHT, dtype=jnp.int64 if jax.config.jax_enable_x64 else jnp.int32)
    x = jax.random.randint(k2, (N,), 0, WIDTH, dtype=jnp.int64 if jax.config.jax_enable_x64 else jnp.int32)
    colors = jax.random.uniform(k3, (N, 3), dtype=jnp.float32)
    return {"y": y, "x": x, "colors": colors, "height": HEIGHT, "width": WIDTH}


def reference(y, x, colors, height, width):
    # Projector.forward (method='direct'):
    #   pcd2depth gives per-point pixel coords (y, x) with depth_sort=True so that
    #   nearer points are written last (last-write-wins). Here (y, x) are the
    #   already-projected, depth-sorted, valid pixel coordinates and `colors`
    #   the gathered allModel.colors[valid_indices].float().
    #   out = torch.zeros((H, W, 3)); out[y, x] = colors
    zero_off = (jnp.asarray(height) - HEIGHT) + (jnp.asarray(width) - WIDTH)
    y = y + zero_off.astype(y.dtype)
    x = x + zero_off.astype(x.dtype)
    out = jnp.zeros((HEIGHT, WIDTH, 3), dtype=colors.dtype)
    out = out.at[y, x].set(colors)
    return out

if __name__ == "__main__":
    import jax
    _d = setup_inputs()
    print(jax.jit(kernel)(*tuple(_d.values())))

</pallas_src>

<mosaic_0001>
#map = affine_map<(d0, d1) -> (0)>
module attributes {stable_mosaic.version = 14 : i64} {
  func.func @_scan_body(%arg0: i32, %arg1: i32, %arg2: memref<4000000xi32, #tpu.memory_space<hbm>>, %arg3: memref<4000000xi32, #tpu.memory_space<hbm>>, %arg4: memref<2097152xi32, #tpu.memory_space<hbm>>, %arg5: memref<8000xi32, #tpu.memory_space<vmem>>, %arg6: memref<8000xi32, #tpu.memory_space<vmem>>, %arg7: memref<8000xi32, #tpu.memory_space<vmem>>, %arg8: memref<8000xi32, #tpu.memory_space<vmem>>, %arg9: memref<65536xi32, #tpu.memory_space<vmem>>, %arg10: memref<!tpu.dma_semaphore, #tpu.memory_space<semaphore_mem>>, %arg11: memref<!tpu.dma_semaphore, #tpu.memory_space<semaphore_mem>>) attributes {dimension_semantics = [#tpu.dimension_semantics<core_parallel>, #tpu.dimension_semantics<subcore_parallel>], iteration_bounds = array<i64: 2, 16>, scalar_prefetch = 0 : i64, scratch_operands = 7 : i64, tpu.core_type = #tpu.core_type<sc_vector_subcore>, window_params = [{transform_indices = #map}, {transform_indices = #map}, {transform_indices = #map}]} {
    %iota3A = tpu.iota {dimensions = array<i32: 0>} : vector<16xi32>
    %and3A = arith.constant 7 : i32
    %and3A_0 = vector.broadcast %and3A : i32 to vector<16xi32>
    %and3A_1 = arith.andi %iota3A, %and3A_0 : vector<16xi32>
    %add3A = arith.constant 127 : i32
    %add3A_2 = vector.broadcast %add3A : i32 to vector<16xi32>
    %add3A_3 = arith.addi %iota3A, %add3A_2 : vector<16xi32>
    %shift_left3A = arith.constant 23 : i32
    %shift_left3A_4 = vector.broadcast %shift_left3A : i32 to vector<16xi32>
    %shift_left3A_5 = arith.shli %add3A_3, %shift_left3A_4 : vector<16xi32>
    %bitcast_convert_type3A = tpu.bitcast %shift_left3A_5 : vector<16xi32> -> vector<16xf32>
    %convert_element_type3A = arith.fptosi %bitcast_convert_type3A : vector<16xf32> to vector<16xi32>
    %add3A_6 = arith.addi %convert_element_type3A, %convert_element_type3A : vector<16xi32>
    %and3A_7 = arith.constant 0 : i32
    %and3A_8 = vector.broadcast %and3A_7 : i32 to vector<16xi32>
    %and3A_9 = arith.andi %iota3A, %and3A_8 : vector<16xi32>
    %mul3A = arith.constant 2000000 : i32
    %mul3A_10 = arith.muli %arg0, %mul3A : i32
    %scan3A = arith.constant 0 : i32
    %scan3A_11 = arith.constant 0 : i32
    %scan3A_12 = arith.constant 4096 : i32
    %scan3A_13 = arith.addi %scan3A_11, %scan3A_12 : i32
    %scan3A_14 = arith.constant 1 : i32
    %scan3A_15 = scf.for %scan3A_34 = %scan3A_11 to %scan3A_13 step %scan3A_14 iter_args(%scan3A_35 = %scan3A) -> (i32)  : i32 {
      %mul3A_36 = arith.constant 16 : i32
      %mul3A_37 = arith.muli %scan3A_34, %mul3A_36 : i32
      %swap3A = arith.index_cast %mul3A_37 : i32 to index
      %swap3A_38 = tpu.vector_load %arg9[%swap3A] {strides = array<i32>} : memref<65536xi32, #tpu.memory_space<vmem>>, vector<16xi32>,
      tpu.vector_store %arg9[%swap3A], %and3A_1 {strides = array<i32>} : memref<65536xi32, #tpu.memory_space<vmem>>, vector<16xi32>,
      %scan3A_39 = arith.constant 0 : i32
      scf.yield %scan3A_39 : i32
    }
    %scan3A_16 = arith.constant 4096 : i32
    %add3A_17 = arith.constant 0 : i32
    %add3A_18 = arith.addi %mul3A_10, %add3A_17 : i32
    %dma_start3A = tpu.memref_slice %arg2[%add3A_18] : memref<4000000xi32, #tpu.memory_space<hbm>> -> memref<8000xi32, #tpu.memory_space<hbm>>
    %dma_start3A_19 = tpu.memref_slice %arg2[%add3A_18] : memref<4000000xi32, #tpu.memory_space<hbm>> -> memref<8000xi32, #tpu.memory_space<hbm>>
    tpu.enqueue_dma source(%dma_start3A_19 : memref<8000xi32, #tpu.memory_space<hbm>>) target(%arg5 : memref<8000xi32, #tpu.memory_space<vmem>>) target_semaphore(%arg10 : memref<!tpu.dma_semaphore, #tpu.memory_space<semaphore_mem>>)
    %dma_start3A_20 = tpu.memref_slice %arg3[%add3A_18] : memref<4000000xi32, #tpu.memory_space<hbm>> -> memref<8000xi32, #tpu.memory_space<hbm>>
    %dma_start3A_21 = tpu.memref_slice %arg3[%add3A_18] : memref<4000000xi32, #tpu.memory_space<hbm>> -> memref<8000xi32, #tpu.memory_space<hbm>>
    tpu.enqueue_dma source(%dma_start3A_21 : memref<8000xi32, #tpu.memory_space<hbm>>) target(%arg6 : memref<8000xi32, #tpu.memory_space<vmem>>) target_semaphore(%arg10 : memref<!tpu.dma_semaphore, #tpu.memory_space<semaphore_mem>>)
    %scan3A_22 = arith.constant 0 : i32
    %scan3A_23 = arith.constant 0 : i32
    %scan3A_24 = arith.constant 125 : i32
    %scan3A_25 = arith.addi %scan3A_23, %scan3A_24 : i32
    %scan3A_26 = arith.constant 1 : i32
    %scan3A_27 = scf.for %scan3A_34 = %scan3A_23 to %scan3A_25 step %scan3A_26 iter_args(%scan3A_35 = %scan3A_22) -> (i32)  : i32 {
      %dma_wait3A = arith.constant 0 : i32
      %dma_wait3A_36 = tpu.memref_slice %arg2[%dma_wait3A] : memref<4000000xi32, #tpu.memory_space<hbm>> -> memref<8000xi32, #tpu.memory_space<hbm>>
      %dma_wait3A_37 = arith.constant 0 : i32
      %dma_wait3A_38 = tpu.memref_slice %arg2[%dma_wait3A_37] : memref<4000000xi32, #tpu.memory_space<hbm>> -> memref<8000xi32, #tpu.memory_space<hbm>>
      tpu.wait_dma2 semaphore(%arg10 : memref<!tpu.dma_semaphore, #tpu.memory_space<semaphore_mem>>) src(%dma_wait3A_38 : memref<8000xi32, #tpu.memory_space<hbm>>) dst(%arg5 : memref<8000xi32, #tpu.memory_space<vmem>>)
      %dma_wait3A_39 = arith.constant 0 : i32
      %dma_wait3A_40 = tpu.memref_slice %arg3[%dma_wait3A_39] : memref<4000000xi32, #tpu.memory_space<hbm>> -> memref<8000xi32, #tpu.memory_space<hbm>>
      %dma_wait3A_41 = arith.constant 0 : i32
      %dma_wait3A_42 = tpu.memref_slice %arg3[%dma_wait3A_41] : memref<4000000xi32, #tpu.memory_space<hbm>> -> memref<8000xi32, #tpu.memory_space<hbm>>
      tpu.wait_dma2 semaphore(%arg10 : memref<!tpu.dma_semaphore, #tpu.memory_space<semaphore_mem>>) src(%dma_wait3A_42 : memref<8000xi32, #tpu.memory_space<hbm>>) dst(%arg6 : memref<8000xi32, #tpu.memory_space<vmem>>)
      %mul3A_43 = arith.constant 2 : i32
      %mul3A_44 = arith.muli %mul3A_43, %scan3A_34 : i32
      %add3A_45 = arith.constant 1 : i32
      %add3A_46 = arith.addi %mul3A_44, %add3A_45 : i32
      %mul3A_47 = arith.constant 8000 : i32
      %mul3A_48 = arith.muli %add3A_46, %mul3A_47 : i32
      %add3A_49 = arith.addi %mul3A_10, %mul3A_48 : i32
      %dma_start3A_50 = tpu.memref_slice %arg2[%add3A_49] : memref<4000000xi32, #tpu.memory_space<hbm>> -> memref<8000xi32, #tpu.memory_space<hbm>>
      %dma_start3A_51 = tpu.memref_slice %arg2[%add3A_49] : memref<4000000xi32, #tpu.memory_space<hbm>> -> memref<8000xi32, #tpu.memory_space<hbm>>
      tpu.enqueue_dma source(%dma_start3A_51 : memref<8000xi32, #tpu.memory_space<hbm>>) target(%arg7 : memref<8000xi32, #tpu.memory_space<vmem>>) target_semaphore(%arg11 : memref<!tpu.dma_semaphore, #tpu.memory_space<semaphore_mem>>)
      %dma_start3A_52 = tpu.memref_slice %arg3[%add3A_49] : memref<4000000xi32, #tpu.memory_space<hbm>> -> memref<8000xi32, #tpu.memory_space<hbm>>
      %dma_start3A_53 = tpu.memref_slice %arg3[%add3A_49] : memref<4000000xi32, #tpu.memory_space<hbm>> -> memref<8000xi32, #tpu.memory_space<hbm>>
      tpu.enqueue_dma source(%dma_start3A_53 : memref<8000xi32, #tpu.memory_space<hbm>>) target(%arg8 : memref<8000xi32, #tpu.memory_space<vmem>>) target_semaphore(%arg11 : memref<!tpu.dma_semaphore, #tpu.memory_space<semaphore_mem>>)
      %mul3A_54 = arith.constant 2 : i32
      %mul3A_55 = arith.muli %mul3A_54, %scan3A_34 : i32
      %mul3A_56 = arith.constant 8000 : i32
      %mul3A_57 = arith.muli %mul3A_55, %mul3A_56 : i32
      %add3A_58 = arith.addi %mul3A_10, %mul3A_57 : i32
      %add3A_59 = arith.constant 8 : i32
      %add3A_60 = arith.addi %add3A_58, %add3A_59 : i32
      %scan3A_61 = arith.constant 0 : i32
      %scan3A_62 = arith.constant 0 : i32
      %scan3A_63 = arith.constant 125 : i32
      %scan3A_64 = arith.addi %scan3A_62, %scan3A_63 : i32
      %scan3A_65 = arith.constant 1 : i32
      %scan3A_66 = scf.for %scan3A_100 = %scan3A_62 to %scan3A_64 step %scan3A_65 iter_args(%scan3A_101 = %scan3A_61) -> (i32)  : i32 {
        %mul3A_102 = arith.constant 4 : i32
        %mul3A_103 = arith.muli %mul3A_102, %scan3A_100 : i32
        %mul3A_104 = arith.constant 16 : i32
        %mul3A_105 = arith.muli %mul3A_103, %mul3A_104 : i32
        %get3A = arith.index_cast %mul3A_105 : i32 to index
        %get3A_106 = tpu.vector_load %arg5[%get3A] {strides = array<i32>} : memref<8000xi32, #tpu.memory_space<vmem>>, vector<16xi32>,
        %mul3A_107 = arith.constant 16 : i32
        %mul3A_108 = arith.muli %mul3A_103, %mul3A_107 : i32
        %get3A_109 = arith.index_cast %mul3A_108 : i32 to index
        %get3A_110 = tpu.vector_load %arg6[%get3A_109] {strides = array<i32>} : memref<8000xi32, #tpu.memory_space<vmem>>, vector<16xi32>,
        %shift_right_logical3A = arith.constant 6 : i32
        %shift_right_logical3A_111 = vector.broadcast %shift_right_logical3A : i32 to vector<16xi32>
        %shift_right_logical3A_112 = arith.shrui %get3A_106, %shift_right_logical3A_111 : vector<16xi32>
        %eq3A = vector.broadcast %arg1 : i32 to vector<16xi32>
        %eq3A_113 = arith.cmpi eq, %shift_right_logical3A_112, %eq3A : vector<16xi32>
        %and3A_114 = arith.constant 63 : i32
        %and3A_115 = vector.broadcast %and3A_114 : i32 to vector<16xi32>
        %and3A_116 = arith.andi %get3A_106, %and3A_115 : vector<16xi32>
        %mul3A_117 = arith.constant 1024 : i32
        %mul3A_118 = vector.broadcast %mul3A_117 : i32 to vector<16xi32>
        %mul3A_119 = arith.muli %and3A_116, %mul3A_118 : vector<16xi32>
        %add3A_120 = arith.addi %mul3A_119, %get3A_110 : vector<16xi32>
        %jit3A = arith.constant 0 : i32
        %broadcast_in_dim3A = vector.broadcast %jit3A : i32 to vector<16xi32>
        %select_n3A = arith.select %eq3A_113, %add3A_120, %broadcast_in_dim3A : vector<16xi1>, vector<16xi32>
        tpu.vector_store_idx %arg9[%select_n3A], %and3A_9 masked %eq3A_113 : memref<65536xi32, #tpu.memory_space<vmem>>[vector<16xi32>], vector<16xi32>, vector<16xi1>
        tpu.vector_store_idx %arg9[%select_n3A], %convert_element_type3A masked %eq3A_113 {add = true} : memref<65536xi32, #tpu.memory_space<vmem>>[vector<16xi32>], vector<16xi32>, vector<16xi1>
        %gather3A = tpu.vector_load_idx %arg9[%select_n3A] masked %eq3A_113 : memref<65536xi32, #tpu.memory_space<vmem>>[vector<16xi32>], vector<16xi32>, vector<16xi1>
        %lt3A_121 = arith.cmpi slt, %gather3A, %add3A_6 : vector<16xi32>
        %and3A_122 = arith.andi %eq3A_113, %lt3A_121 : vector<16xi1>
        %mul3A_123 = arith.constant 16 : i32
        %mul3A_124 = arith.muli %mul3A_103, %mul3A_123 : i32
        %add3A_125 = arith.addi %add3A_60, %mul3A_124 : i32
        %add3A_126 = vector.broadcast %add3A_125 : i32 to vector<16xi32>
        %add3A_127 = arith.addi %add3A_126, %iota3A : vector<16xi32>
        tpu.vector_store_idx %arg9[%select_n3A], %add3A_127 masked %and3A_122 : memref<65536xi32, #tpu.memory_space<vmem>>[vector<16xi32>], vector<16xi32>, vector<16xi1>
        %mul3A_128 = arith.constant 4 : i32
        %mul3A_129 = arith.muli %mul3A_128, %scan3A_100 : i32
        %add3A_130 = arith.constant 1 : i32
        %add3A_131 = arith.addi %mul3A_129, %add3A_130 : i32
        %mul3A_132 = arith.constant 16 : i32
        %mul3A_133 = arith.muli %add3A_131, %mul3A_132 : i32
        %get3A_134 = arith.index_cast %mul3A_133 : i32 to index
        %get3A_135 = tpu.vector_load %arg5[%get3A_134] {strides = array<i32>} : memref<8000xi32, #tpu.memory_space<vmem>>, vector<16xi32>,
        %mul3A_136 = arith.constant 16 : i32
        %mul3A_137 = arith.muli %add3A_131, %mul3A_136 : i32
        %get3A_138 = arith.index_cast %mul3A_137 : i32 to index
        %get3A_139 = tpu.vector_load %arg6[%get3A_138] {strides = array<i32>} : memref<8000xi32, #tpu.memory_space<vmem>>, vector<16xi32>,
        %shift_right_logical3A_140 = arith.constant 6 : i32
        %shift_right_logical3A_141 = vector.broadcast %shift_right_logical3A_140 : i32 to vector<16xi32>
        %shift_right_logical3A_142 = arith.shrui %get3A_135, %shift_right_logical3A_141 : vector<16xi32>
        %eq3A_143 = vector.broadcast %arg1 : i32 to vector<16xi32>
        %eq3A_144 = arith.cmpi eq, %shift_right_logical3A_142, %eq3A_143 : vector<16xi32>
        %and3A_145 = arith.constant 63 : i32
        %and3A_146 = vector.broadcast %and3A_145 : i32 to vector<16xi32>
        %and3A_147 = arith.andi %get3A_135, %and3A_146 : vector<16xi32>
        %mul3A_148 = arith.constant 1024 : i32
        %mul3A_149 = vector.broadcast %mul3A_148 : i32 to vector<16xi32>
        %mul3A_150 = arith.muli %and3A_147, %mul3A_149 : vector<16xi32>
        %add3A_151 = arith.addi %mul3A_150, %get3A_139 : vector<16xi32>
        %jit3A_152 = arith.constant 0 : i32
        %broadcast_in_dim3A_153 = vector.broadcast %jit3A_152 : i32 to vector<16xi32>
        %select_n3A_154 = arith.select %eq3A_144, %add3A_151, %broadcast_in_dim3A_153 : vector<16xi1>, vector<16xi32>
        tpu.vector_store_idx %arg9[%select_n3A_154], %and3A_9 masked %eq3A_144 : memref<65536xi32, #tpu.memory_space<vmem>>[vector<16xi32>], vector<16xi32>, vector<16xi1>
        tpu.vector_store_idx %arg9[%select_n3A_154], %convert_element_type3A masked %eq3A_144 {add = true} : memref<65536xi32, #tpu.memory_space<vmem>>[vector<16xi32>], vector<16xi32>, vector<16xi1>
        %gather3A_155 = tpu.vector_load_idx %arg9[%select_n3A_154] masked %eq3A_144 : memref<65536xi32, #tpu.memory_space<vmem>>[vector<16xi32>], vector<16xi32>, vector<16xi1>
        %lt3A_156 = arith.cmpi slt, %gather3A_155, %add3A_6 : vector<16xi32>
        %and3A_157 = arith.andi %eq3A_144, %lt3A_156 : vector<16xi1>
        %mul3A_158 = arith.constant 16 : i32
        %mul3A_159 = arith.muli %add3A_131, %mul3A_158 : i32
        %add3A_160 = arith.addi %add3A_60, %mul3A_159 : i32
        %add3A_161 = vector.broadcast %add3A_160 : i32 to vector<16xi32>
        %add3A_162 = arith.addi %add3A_161, %iota3A : vector<16xi32>
        tpu.vector_store_idx %arg9[%select_n3A_154], %add3A_162 masked %and3A_157 : memref<65536xi32, #tpu.memory_space<vmem>>[vector<16xi32>], vector<16xi32>, vector<16xi1>
        %mul3A_163 = arith.constant 4 : i32
        %mul3A_164 = arith.muli %mul3A_163, %scan3A_100 : i32
        %add3A_165 = arith.constant 2 : i32
        %add3A_166 = arith.addi %mul3A_164, %add3A_165 : i32
        %mul3A_167 = arith.constant 16 : i32
        %mul3A_168 = arith.muli %add3A_166, %mul3A_167 : i32
        %get3A_169 = arith.index_cast %mul3A_168 : i32 to index
        %get3A_170 = tpu.vector_load %arg5[%get3A_169] {strides = array<i32>} : memref<8000xi32, #tpu.memory_space<vmem>>, vector<16xi32>,
        %mul3A_171 = arith.constant 16 : i32
        %mul3A_172 = arith.muli %add3A_166, %mul3A_171 : i32
        %get3A_173 = arith.index_cast %mul3A_172 : i32 to index
        %get3A_174 = tpu.vector_load %arg6[%get3A_173] {strides = array<i32>} : memref<8000xi32, #tpu.memory_space<vmem>>, vector<16xi32>,
        %shift_right_logical3A_175 = arith.constant 6 : i32
        %shift_right_logical3A_176 = vector.broadcast %shift_right_logical3A_175 : i32 to vector<16xi32>
        %shift_right_logical3A_177 = arith.shrui %get3A_170, %shift_right_logical3A_176 : vector<16xi32>
        %eq3A_178 = vector.broadcast %arg1 : i32 to vector<16xi32>
        %eq3A_179 = arith.cmpi eq, %shift_right_logical3A_177, %eq3A_178 : vector<16xi32>
        %and3A_180 = arith.constant 63 : i32
        %and3A_181 = vector.broadcast %and3A_180 : i32 to vector<16xi32>
        %and3A_182 = arith.andi %get3A_170, %and3A_181 : vector<16xi32>
        %mul3A_183 = arith.constant 1024 : i32
        %mul3A_184 = vector.broadcast %mul3A_183 : i32 to vector<16xi32>
        %mul3A_185 = arith.muli %and3A_182, %mul3A_184 : vector<16xi32>
        %add3A_186 = arith.addi %mul3A_185, %get3A_174 : vector<16xi32>
        %jit3A_187 = arith.constant 0 : i32
        %broadcast_in_dim3A_188 = vector.broadcast %jit3A_187 : i32 to vector<16xi32>
        %select_n3A_189 = arith.select %eq3A_179, %add3A_186, %broadcast_in_dim3A_188 : vector<16xi1>, vector<16xi32>
        tpu.vector_store_idx %arg9[%select_n3A_189], %and3A_9 masked %eq3A_179 : memref<65536xi32, #tpu.memory_space<vmem>>[vector<16xi32>], vector<16xi32>, vector<16xi1>
        tpu.vector_store_idx %arg9[%select_n3A_189], %convert_element_type3A masked %eq3A_179 {add = true} : memref<65536xi32, #tpu.memory_space<vmem>>[vector<16xi32>], vector<16xi32>, vector<16xi1>
        %gather3A_190 = tpu.vector_load_idx %arg9[%select_n3A_189] masked %eq3A_179 : memref<65536xi32, #tpu.memory_space<vmem>>[vector<16xi32>], vector<16xi32>, vector<16xi1>
        %lt3A_191 = arith.cmpi slt, %gather3A_190, %add3A_6 : vector<16xi32>
        %and3A_192 = arith.andi %eq3A_179, %lt3A_191 : vector<16xi1>
        %mul3A_193 = arith.constant 16 : i32
        %mul3A_194 = arith.muli %add3A_166, %mul3A_193 : i32
        %add3A_195 = arith.addi %add3A_60, %mul3A_194 : i32
        %add3A_196 = vector.broadcast %add3A_195 : i32 to vector<16xi32>
        %add3A_197 = arith.addi %add3A_196, %iota3A : vector<16xi32>
        tpu.vector_store_idx %arg9[%select_n3A_189], %add3A_197 masked %and3A_192 : memref<65536xi32, #tpu.memory_space<vmem>>[vector<16xi32>], vector<16xi32>, vector<16xi1>
        %mul3A_198 = arith.constant 4 : i32
        %mul3A_199 = arith.muli %mul3A_198, %scan3A_100 : i32
        %add3A_200 = arith.constant 3 : i32
        %add3A_201 = arith.addi %mul3A_199, %add3A_200 : i32
        %mul3A_202 = arith.constant 16 : i32
        %mul3A_203 = arith.muli %add3A_201, %mul3A_202 : i32
        %get3A_204 = arith.index_cast %mul3A_203 : i32 to index
        %get3A_205 = tpu.vector_load %arg5[%get3A_204] {strides = array<i32>} : memref<8000xi32, #tpu.memory_space<vmem>>, vector<16xi32>,
        %mul3A_206 = arith.constant 16 : i32
        %mul3A_207 = arith.muli %add3A_201, %mul3A_206 : i32
        %get3A_208 = arith.index_cast %mul3A_207 : i32 to index
        %get3A_209 = tpu.vector_load %arg6[%get3A_208] {strides = array<i32>} : memref<8000xi32, #tpu.memory_space<vmem>>, vector<16xi32>,
        %shift_right_logical3A_210 = arith.constant 6 : i32
        %shift_right_logical3A_211 = vector.broadcast %shift_right_logical3A_210 : i32 to vector<16xi32>
        %shift_right_logical3A_212 = arith.shrui %get3A_205, %shift_right_logical3A_211 : vector<16xi32>
        %eq3A_213 = vector.broadcast %arg1 : i32 to vector<16xi32>
        %eq3A_214 = arith.cmpi eq, %shift_right_logical3A_212, %eq3A_213 : vector<16xi32>
        %and3A_215 = arith.constant 63 : i32
        %and3A_216 = vector.broadcast %and3A_215 : i32 to vector<16xi32>
        %and3A_217 = arith.andi %get3A_205, %and3A_216 : vector<16xi32>
        %mul3A_218 = arith.constant 1024 : i32
        %mul3A_219 = vector.broadcast %mul3A_218 : i32 to vector<16xi32>
        %mul3A_220 = arith.muli %and3A_217, %mul3A_219 : vector<16xi32>
        %add3A_221 = arith.addi %mul3A_220, %get3A_209 : vector<16xi32>
        %jit3A_222 = arith.constant 0 : i32
        %broadcast_in_dim3A_223 = vector.broadcast %jit3A_222 : i32 to vector<16xi32>
        %select_n3A_224 = arith.select %eq3A_214, %add3A_221, %broadcast_in_dim3A_223 : vector<16xi1>, vector<16xi32>
        tpu.vector_store_idx %arg9[%select_n3A_224], %and3A_9 masked %eq3A_214 : memref<65536xi32, #tpu.memory_space<vmem>>[vector<16xi32>], vector<16xi32>, vector<16xi1>
        tpu.vector_store_idx %arg9[%select_n3A_224], %convert_element_type3A masked %eq3A_214 {add = true} : memref<65536xi32, #tpu.memory_space<vmem>>[vector<16xi32>], vector<16xi32>, vector<16xi1>
        %gather3A_225 = tpu.vector_load_idx %arg9[%select_n3A_224] masked %eq3A_214 : memref<65536xi32, #tpu.memory_space<vmem>>[vector<16xi32>], vector<16xi32>, vector<16xi1>
        %lt3A_226 = arith.cmpi slt, %gather3A_225, %add3A_6 : vector<16xi32>
        %and3A_227 = arith.andi %eq3A_214, %lt3A_226 : vector<16xi1>
        %mul3A_228 = arith.constant 16 : i32
        %mul3A_229 = arith.muli %add3A_201, %mul3A_228 : i32
        %add3A_230 = arith.addi %add3A_60, %mul3A_229 : i32
        %add3A_231 = vector.broadcast %add3A_230 : i32 to vector<16xi32>
        %add3A_232 = arith.addi %add3A_231, %iota3A : vector<16xi32>
        tpu.vector_store_idx %arg9[%select_n3A_224], %add3A_232 masked %and3A_227 : memref<65536xi32, #tpu.memory_space<vmem>>[vector<16xi32>], vector<16xi32>, vector<16xi1>
        %scan3A_233 = arith.constant 0 : i32
        scf.yield %scan3A_233 : i32
      }
      %scan3A_67 = arith.constant 125 : i32
      %dma_wait3A_68 = arith.constant 0 : i32
      %dma_wait3A_69 = tpu.memref_slice %arg2[%dma_wait3A_68] : memref<4000000xi32, #tpu.memory_space<hbm>> -> memref<8000xi32, #tpu.memory_space<hbm>>
      %dma_wait3A_70 = arith.constant 0 : i32
      %dma_wait3A_71 = tpu.memref_slice %arg2[%dma_wait3A_70] : memref<4000000xi32, #tpu.memory_space<hbm>> -> memref<8000xi32, #tpu.memory_space<hbm>>
      tpu.wait_dma2 semaphore(%arg11 : memref<!tpu.dma_semaphore, #tpu.memory_space<semaphore_mem>>) src(%dma_wait3A_71 : memref<8000xi32, #tpu.memory_space<hbm>>) dst(%arg7 : memref<8000xi32, #tpu.memory_space<vmem>>)
      %dma_wait3A_72 = arith.constant 0 : i32
      %dma_wait3A_73 = tpu.memref_slice %arg3[%dma_wait3A_72] : memref<4000000xi32, #tpu.memory_space<hbm>> -> memref<8000xi32, #tpu.memory_space<hbm>>
      %dma_wait3A_74 = arith.constant 0 : i32
      %dma_wait3A_75 = tpu.memref_slice %arg3[%dma_wait3A_74] : memref<4000000xi32, #tpu.memory_space<hbm>> -> memref<8000xi32, #tpu.memory_space<hbm>>
      tpu.wait_dma2 semaphore(%arg11 : memref<!tpu.dma_semaphore, #tpu.memory_space<semaphore_mem>>) src(%dma_wait3A_75 : memref<8000xi32, #tpu.memory_space<hbm>>) dst(%arg8 : memref<8000xi32, #tpu.memory_space<vmem>>)
      %mul3A_76 = arith.constant 2 : i32
      %mul3A_77 = arith.muli %mul3A_76, %scan3A_34 : i32
      %add3A_78 = arith.constant 2 : i32
      %add3A_79 = arith.addi %mul3A_77, %add3A_78 : i32
      %lt3A = arith.constant 250 : i32
      %lt3A_80 = arith.cmpi slt, %add3A_79, %lt3A : i32
      %convert_element_type3A_81 = arith.extui %lt3A_80 : i1 to i32
      %cond3A = arith.constant 0 : i32
      %cond3A_82 = arith.cmpi ne, %convert_element_type3A_81, %cond3A : i32
      scf.if %cond3A_82 {
        %mul3A_100 = arith.constant 2 : i32
        %mul3A_101 = arith.muli %mul3A_100, %scan3A_34 : i32
        %add3A_102 = arith.constant 2 : i32
        %add3A_103 = arith.addi %mul3A_101, %add3A_102 : i32
        %mul3A_104 = arith.constant 8000 : i32
        %mul3A_105 = arith.muli %add3A_103, %mul3A_104 : i32
        %add3A_106 = arith.addi %mul3A_10, %mul3A_105 : i32
        %dma_start3A_107 = tpu.memref_slice %arg2[%add3A_106] : memref<4000000xi32, #tpu.memory_space<hbm>> -> memref<8000xi32, #tpu.memory_space<hbm>>
        %dma_start3A_108 = tpu.memref_slice %arg2[%add3A_106] : memref<4000000xi32, #tpu.memory_space<hbm>> -> memref<8000xi32, #tpu.memory_space<hbm>>
        tpu.enqueue_dma source(%dma_start3A_108 : memref<8000xi32, #tpu.memory_space<hbm>>) target(%arg5 : memref<8000xi32, #tpu.memory_space<vmem>>) target_semaphore(%arg10 : memref<!tpu.dma_semaphore, #tpu.memory_space<semaphore_mem>>)
        %dma_start3A_109 = tpu.memref_slice %arg3[%add3A_106] : memref<4000000xi32, #tpu.memory_space<hbm>> -> memref<8000xi32, #tpu.memory_space<hbm>>
        %dma_start3A_110 = tpu.memref_slice %arg3[%add3A_106] : memref<4000000xi32, #tpu.memory_space<hbm>> -> memref<8000xi32, #tpu.memory_space<hbm>>
        tpu.enqueue_dma source(%dma_start3A_110 : memref<8000xi32, #tpu.memory_space<hbm>>) target(%arg6 : memref<8000xi32, #tpu.memory_space<vmem>>) target_semaphore(%arg10 : memref<!tpu.dma_semaphore, #tpu.memory_space<semaphore_mem>>)
      } else {
      }
      %mul3A_83 = arith.constant 2 : i32
      %mul3A_84 = arith.muli %mul3A_83, %scan3A_34 : i32
      %add3A_85 = arith.constant 1 : i32
      %add3A_86 = arith.addi %mul3A_84, %add3A_85 : i32
      %mul3A_87 = arith.constant 8000 : i32
      %mul3A_88 = arith.muli %add3A_86, %mul3A_87 : i32
      %add3A_89 = arith.addi %mul3A_10, %mul3A_88 : i32
      %add3A_90 = arith.constant 8 : i32
      %add3A_91 = arith.addi %add3A_89, %add3A_90 : i32
      %scan3A_92 = arith.constant 0 : i32
      %scan3A_93 = arith.constant 0 : i32
      %scan3A_94 = arith.constant 125 : i32
      %scan3A_95 = arith.addi %scan3A_93, %scan3A_94 : i32
      %scan3A_96 = arith.constant 1 : i32
      %scan3A_97 = scf.for %scan3A_100 = %scan3A_93 to %scan3A_95 step %scan3A_96 iter_args(%scan3A_101 = %scan3A_92) -> (i32)  : i32 {
        %mul3A_102 = arith.constant 4 : i32
        %mul3A_103 = arith.muli %mul3A_102, %scan3A_100 : i32
        %mul3A_104 = arith.constant 16 : i32
        %mul3A_105 = arith.muli %mul3A_103, %mul3A_104 : i32
        %get3A = arith.index_cast %mul3A_105 : i32 to index
        %get3A_106 = tpu.vector_load %arg7[%get3A] {strides = array<i32>} : memref<8000xi32, #tpu.memory_space<vmem>>, vector<16xi32>,
        %mul3A_107 = arith.constant 16 : i32
        %mul3A_108 = arith.muli %mul3A_103, %mul3A_107 : i32
        %get3A_109 = arith.index_cast %mul3A_108 : i32 to index
        %get3A_110 = tpu.vector_load %arg8[%get3A_109] {strides = array<i32>} : memref<8000xi32, #tpu.memory_space<vmem>>, vector<16xi32>,
        %shift_right_logical3A = arith.constant 6 : i32
        %shift_right_logical3A_111 = vector.broadcast %shift_right_logical3A : i32 to vector<16xi32>
        %shift_right_logical3A_112 = arith.shrui %get3A_106, %shift_right_logical3A_111 : vector<16xi32>
        %eq3A = vector.broadcast %arg1 : i32 to vector<16xi32>
        %eq3A_113 = arith.cmpi eq, %shift_right_logical3A_112, %eq3A : vector<16xi32>
        %and3A_114 = arith.constant 63 : i32
        %and3A_115 = vector.broadcast %and3A_114 : i32 to vector<16xi32>
        %and3A_116 = arith.andi %get3A_106, %and3A_115 : vector<16xi32>
        %mul3A_117 = arith.constant 1024 : i32
        %mul3A_118 = vector.broadcast %mul3A_117 : i32 to vector<16xi32>
        %mul3A_119 = arith.muli %and3A_116, %mul3A_118 : vector<16xi32>
        %add3A_120 = arith.addi %mul3A_119, %get3A_110 : vector<16xi32>
        %jit3A = arith.constant 0 : i32
        %broadcast_in_dim3A = vector.broadcast %jit3A : i32 to vector<16xi32>
        %select_n3A = arith.select %eq3A_113, %add3A_120, %broadcast_in_dim3A : vector<16xi1>, vector<16xi32>
        tpu.vector_store_idx %arg9[%select_n3A], %and3A_9 masked %eq3A_113 : memref<65536xi32, #tpu.memory_space<vmem>>[vector<16xi32>], vector<16xi32>, vector<16xi1>
        tpu.vector_store_idx %arg9[%select_n3A], %convert_element_type3A masked %eq3A_113 {add = true} : memref<65536xi32, #tpu.memory_space<vmem>>[vector<16xi32>], vector<16xi32>, vector<16xi1>
        %gather3A = tpu.vector_load_idx %arg9[%select_n3A] masked %eq3A_113 : memref<65536xi32, #tpu.memory_space<vmem>>[vector<16xi32>], vector<16xi32>, vector<16xi1>
        %lt3A_121 = arith.cmpi slt, %gather3A, %add3A_6 : vector<16xi32>
        %and3A_122 = arith.andi %eq3A_113, %lt3A_121 : vector<16xi1>
        %mul3A_123 = arith.constant 16 : i32
        %mul3A_124 = arith.muli %mul3A_103, %mul3A_123 : i32
        %add3A_125 = arith.addi %add3A_91, %mul3A_124 : i32
        %add3A_126 = vector.broadcast %add3A_125 : i32 to vector<16xi32>
        %add3A_127 = arith.addi %add3A_126, %iota3A : vector<16xi32>
        tpu.vector_store_idx %arg9[%select_n3A], %add3A_127 masked %and3A_122 : memref<65536xi32, #tpu.memory_space<vmem>>[vector<16xi32>], vector<16xi32>, vector<16xi1>
        %mul3A_128 = arith.constant 4 : i32
        %mul3A_129 = arith.muli %mul3A_128, %scan3A_100 : i32
        %add3A_130 = arith.constant 1 : i32
        %add3A_131 = arith.addi %mul3A_129, %add3A_130 : i32
        %mul3A_132 = arith.constant 16 : i32
        %mul3A_133 = arith.muli %add3A_131, %mul3A_132 : i32
        %get3A_134 = arith.index_cast %mul3A_133 : i32 to index
        %get3A_135 = tpu.vector_load %arg7[%get3A_134] {strides = array<i32>} : memref<8000xi32, #tpu.memory_space<vmem>>, vector<16xi32>,
        %mul3A_136 = arith.constant 16 : i32
        %mul3A_137 = arith.muli %add3A_131, %mul3A_136 : i32
        %get3A_138 = arith.index_cast %mul3A_137 : i32 to index
        %get3A_139 = tpu.vector_load %arg8[%get3A_138] {strides = array<i32>} : memref<8000xi32, #tpu.memory_space<vmem>>, vector<16xi32>,
        %shift_right_logical3A_140 = arith.constant 6 : i32
        %shift_right_logical3A_141 = vector.broadcast %shift_right_logical3A_140 : i32 to vector<16xi32>
        %shift_right_logical3A_142 = arith.shrui %get3A_135, %shift_right_logical3A_141 : vector<16xi32>
        %eq3A_143 = vector.broadcast %arg1 : i32 to vector<16xi32>
        %eq3A_144 = arith.cmpi eq, %shift_right_logical3A_142, %eq3A_143 : vector<16xi32>
        %and3A_145 = arith.constant 63 : i32
        %and3A_146 = vector.broadcast %and3A_145 : i32 to vector<16xi32>
        %and3A_147 = arith.andi %get3A_135, %and3A_146 : vector<16xi32>
        %mul3A_148 = arith.constant 1024 : i32
        %mul3A_149 = vector.broadcast %mul3A_148 : i32 to vector<16xi32>
        %mul3A_150 = arith.muli %and3A_147, %mul3A_149 : vector<16xi32>
        %add3A_151 = arith.addi %mul3A_150, %get3A_139 : vector<16xi32>
        %jit3A_152 = arith.constant 0 : i32
        %broadcast_in_dim3A_153 = vector.broadcast %jit3A_152 : i32 to vector<16xi32>
        %select_n3A_154 = arith.select %eq3A_144, %add3A_151, %broadcast_in_dim3A_153 : vector<16xi1>, vector<16xi32>
        tpu.vector_store_idx %arg9[%select_n3A_154], %and3A_9 masked %eq3A_144 : memref<65536xi32, #tpu.memory_space<vmem>>[vector<16xi32>], vector<16xi32>, vector<16xi1>
        tpu.vector_store_idx %arg9[%select_n3A_154], %convert_element_type3A masked %eq3A_144 {add = true} : memref<65536xi32, #tpu.memory_space<vmem>>[vector<16xi32>], vector<16xi32>, vector<16xi1>
        %gather3A_155 = tpu.vector_load_idx %arg9[%select_n3A_154] masked %eq3A_144 : memref<65536xi32, #tpu.memory_space<vmem>>[vector<16xi32>], vector<16xi32>, vector<16xi1>
        %lt3A_156 = arith.cmpi slt, %gather3A_155, %add3A_6 : vector<16xi32>
        %and3A_157 = arith.andi %eq3A_144, %lt3A_156 : vector<16xi1>
        %mul3A_158 = arith.constant 16 : i32
        %mul3A_159 = arith.muli %add3A_131, %mul3A_158 : i32
        %add3A_160 = arith.addi %add3A_91, %mul3A_159 : i32
        %add3A_161 = vector.broadcast %add3A_160 : i32 to vector<16xi32>
        %add3A_162 = arith.addi %add3A_161, %iota3A : vector<16xi32>
        tpu.vector_store_idx %arg9[%select_n3A_154], %add3A_162 masked %and3A_157 : memref<65536xi32, #tpu.memory_space<vmem>>[vector<16xi32>], vector<16xi32>, vector<16xi1>
        %mul3A_163 = arith.constant 4 : i32
        %mul3A_164 = arith.muli %mul3A_163, %scan3A_100 : i32
        %add3A_165 = arith.constant 2 : i32
        %add3A_166 = arith.addi %mul3A_164, %add3A_165 : i32
        %mul3A_167 = arith.constant 16 : i32
        %mul3A_168 = arith.muli %add3A_166, %mul3A_167 : i32
        %get3A_169 = arith.index_cast %mul3A_168 : i32 to index
        %get3A_170 = tpu.vector_load %arg7[%get3A_169] {strides = array<i32>} : memref<8000xi32, #tpu.memory_space<vmem>>, vector<16xi32>,
        %mul3A_171 = arith.constant 16 : i32
        %mul3A_172 = arith.muli %add3A_166, %mul3A_171 : i32
        %get3A_173 = arith.index_cast %mul3A_172 : i32 to index
        %get3A_174 = tpu.vector_load %arg8[%get3A_173] {strides = array<i32>} : memref<8000xi32, #tpu.memory_space<vmem>>, vector<16xi32>,
        %shift_right_logical3A_175 = arith.constant 6 : i32
        %shift_right_logical3A_176 = vector.broadcast %shift_right_logical3A_175 : i32 to vector<16xi32>
        %shift_right_logical3A_177 = arith.shrui %get3A_170, %shift_right_logical3A_176 : vector<16xi32>
        %eq3A_178 = vector.broadcast %arg1 : i32 to vector<16xi32>
        %eq3A_179 = arith.cmpi eq, %shift_right_logical3A_177, %eq3A_178 : vector<16xi32>
        %and3A_180 = arith.constant 63 : i32
        %and3A_181 = vector.broadcast %and3A_180 : i32 to vector<16xi32>
        %and3A_182 = arith.andi %get3A_170, %and3A_181 : vector<16xi32>
        %mul3A_183 = arith.constant 1024 : i32
        %mul3A_184 = vector.broadcast %mul3A_183 : i32 to vector<16xi32>
        %mul3A_185 = arith.muli %and3A_182, %mul3A_184 : vector<16xi32>
        %add3A_186 = arith.addi %mul3A_185, %get3A_174 : vector<16xi32>
        %jit3A_187 = arith.constant 0 : i32
        %broadcast_in_dim3A_188 = vector.broadcast %jit3A_187 : i32 to vector<16xi32>
        %select_n3A_189 = arith.select %eq3A_179, %add3A_186, %broadcast_in_dim3A_188 : vector<16xi1>, vector<16xi32>
        tpu.vector_store_idx %arg9[%select_n3A_189], %and3A_9 masked %eq3A_179 : memref<65536xi32, #tpu.memory_space<vmem>>[vector<16xi32>], vector<16xi32>, vector<16xi1>
        tpu.vector_store_idx %arg9[%select_n3A_189], %convert_element_type3A masked %eq3A_179 {add = true} : memref<65536xi32, #tpu.memory_space<vmem>>[vector<16xi32>], vector<16xi32>, vector<16xi1>
        %gather3A_190 = tpu.vector_load_idx %arg9[%select_n3A_189] masked %eq3A_179 : memref<65536xi32, #tpu.memory_space<vmem>>[vector<16xi32>], vector<16xi32>, vector<16xi1>
        %lt3A_191 = arith.cmpi slt, %gather3A_190, %add3A_6 : vector<16xi32>
        %and3A_192 = arith.andi %eq3A_179, %lt3A_191 : vector<16xi1>
        %mul3A_193 = arith.constant 16 : i32
        %mul3A_194 = arith.muli %add3A_166, %mul3A_193 : i32
        %add3A_195 = arith.addi %add3A_91, %mul3A_194 : i32
        %add3A_196 = vector.broadcast %add3A_195 : i32 to vector<16xi32>
        %add3A_197 = arith.addi %add3A_196, %iota3A : vector<16xi32>
        tpu.vector_store_idx %arg9[%select_n3A_189], %add3A_197 masked %and3A_192 : memref<65536xi32, #tpu.memory_space<vmem>>[vector<16xi32>], vector<16xi32>, vector<16xi1>
        %mul3A_198 = arith.constant 4 : i32
        %mul3A_199 = arith.muli %mul3A_198, %scan3A_100 : i32
        %add3A_200 = arith.constant 3 : i32
        %add3A_201 = arith.addi %mul3A_199, %add3A_200 : i32
        %mul3A_202 = arith.constant 16 : i32
        %mul3A_203 = arith.muli %add3A_201, %mul3A_202 : i32
        %get3A_204 = arith.index_cast %mul3A_203 : i32 to index
        %get3A_205 = tpu.vector_load %arg7[%get3A_204] {strides = array<i32>} : memref<8000xi32, #tpu.memory_space<vmem>>, vector<16xi32>,
        %mul3A_206 = arith.constant 16 : i32
        %mul3A_207 = arith.muli %add3A_201, %mul3A_206 : i32
        %get3A_208 = arith.index_cast %mul3A_207 : i32 to index
        %get3A_209 = tpu.vector_load %arg8[%get3A_208] {strides = array<i32>} : memref<8000xi32, #tpu.memory_space<vmem>>, vector<16xi32>,
        %shift_right_logical3A_210 = arith.constant 6 : i32
        %shift_right_logical3A_211 = vector.broadcast %shift_right_logical3A_210 : i32 to vector<16xi32>
        %shift_right_logical3A_212 = arith.shrui %get3A_205, %shift_right_logical3A_211 : vector<16xi32>
        %eq3A_213 = vector.broadcast %arg1 : i32 to vector<16xi32>
        %eq3A_214 = arith.cmpi eq, %shift_right_logical3A_212, %eq3A_213 : vector<16xi32>
        %and3A_215 = arith.constant 63 : i32
        %and3A_216 = vector.broadcast %and3A_215 : i32 to vector<16xi32>
        %and3A_217 = arith.andi %get3A_205, %and3A_216 : vector<16xi32>
        %mul3A_218 = arith.constant 1024 : i32
        %mul3A_219 = vector.broadcast %mul3A_218 : i32 to vector<16xi32>
        %mul3A_220 = arith.muli %and3A_217, %mul3A_219 : vector<16xi32>
        %add3A_221 = arith.addi %mul3A_220, %get3A_209 : vector<16xi32>
        %jit3A_222 = arith.constant 0 : i32
        %broadcast_in_dim3A_223 = vector.broadcast %jit3A_222 : i32 to vector<16xi32>
        %select_n3A_224 = arith.select %eq3A_214, %add3A_221, %broadcast_in_dim3A_223 : vector<16xi1>, vector<16xi32>
        tpu.vector_store_idx %arg9[%select_n3A_224], %and3A_9 masked %eq3A_214 : memref<65536xi32, #tpu.memory_space<vmem>>[vector<16xi32>], vector<16xi32>, vector<16xi1>
        tpu.vector_store_idx %arg9[%select_n3A_224], %convert_element_type3A masked %eq3A_214 {add = true} : memref<65536xi32, #tpu.memory_space<vmem>>[vector<16xi32>], vector<16xi32>, vector<16xi1>
        %gather3A_225 = tpu.vector_load_idx %arg9[%select_n3A_224] masked %eq3A_214 : memref<65536xi32, #tpu.memory_space<vmem>>[vector<16xi32>], vector<16xi32>, vector<16xi1>
        %lt3A_226 = arith.cmpi slt, %gather3A_225, %add3A_6 : vector<16xi32>
        %and3A_227 = arith.andi %eq3A_214, %lt3A_226 : vector<16xi1>
        %mul3A_228 = arith.constant 16 : i32
        %mul3A_229 = arith.muli %add3A_201, %mul3A_228 : i32
        %add3A_230 = arith.addi %add3A_91, %mul3A_229 : i32
        %add3A_231 = vector.broadcast %add3A_230 : i32 to vector<16xi32>
        %add3A_232 = arith.addi %add3A_231, %iota3A : vector<16xi32>
        tpu.vector_store_idx %arg9[%select_n3A_224], %add3A_232 masked %and3A_227 : memref<65536xi32, #tpu.memory_space<vmem>>[vector<16xi32>], vector<16xi32>, vector<16xi1>
        %scan3A_233 = arith.constant 0 : i32
        scf.yield %scan3A_233 : i32
      }
      %scan3A_98 = arith.constant 125 : i32
      %scan3A_99 = arith.constant 0 : i32
      scf.yield %scan3A_99 : i32
    }
    %scan3A_28 = arith.constant 125 : i32
    %mul3A_29 = arith.constant 1048576 : i32
    %mul3A_30 = arith.muli %arg0, %mul3A_29 : i32
    %mul3A_31 = arith.constant 65536 : i32
    %mul3A_32 = arith.muli %arg1, %mul3A_31 : i32
    %add3A_33 = arith.addi %mul3A_30, %mul3A_32 : i32
    "tpu.region"() ({
      %run_scoped3A = tpu.sem_alloc : memref<!tpu.dma_semaphore, #tpu.memory_space<semaphore_mem>>
      %dma_start3A_34 = tpu.memref_slice %arg4[%add3A_33] : memref<2097152xi32, #tpu.memory_space<hbm>> -> memref<65536xi32, #tpu.memory_space<hbm>>
      %dma_start3A_35 = tpu.memref_slice %arg4[%add3A_33] : memref<2097152xi32, #tpu.memory_space<hbm>> -> memref<65536xi32, #tpu.memory_space<hbm>>
      tpu.enqueue_dma source(%arg9 : memref<65536xi32, #tpu.memory_space<vmem>>) target(%dma_start3A_35 : memref<65536xi32, #tpu.memory_space<hbm>>) target_semaphore(%run_scoped3A : memref<!tpu.dma_semaphore, #tpu.memory_space<semaphore_mem>>)
      %dma_wait3A = tpu.memref_slice %arg4[%add3A_33] : memref<2097152xi32, #tpu.memory_space<hbm>> -> memref<65536xi32, #tpu.memory_space<hbm>>
      %dma_wait3A_36 = tpu.memref_slice %arg4[%add3A_33] : memref<2097152xi32, #tpu.memory_space<hbm>> -> memref<65536xi32, #tpu.memory_space<hbm>>
      tpu.wait_dma2 semaphore(%run_scoped3A : memref<!tpu.dma_semaphore, #tpu.memory_space<semaphore_mem>>) src(%arg9 : memref<65536xi32, #tpu.memory_space<vmem>>) dst(%dma_wait3A_36 : memref<65536xi32, #tpu.memory_space<hbm>>)
      tpu.yield
    }) : () -> ()
    return
  }
}

</mosaic_0001>

<sc_bundles>
// kernel: _scan.3.cloned.1.call-start
scs
__scs_entry_jumppad:
0x0: {  	(pc) =	sbr.rel $0x88, $3  }
0x1: {  	(tag) =	ssettag $0x0;
	lr =	simm.s32 $0x1  }
0x2: {  	[smem:$0x3F9F] =	sst lr;
	_ =	strace $0xD0000000  }
0x3: {  	_ = 	snop  }
0x4: {  	_ = 	snop  }
0x5: {  	_ = 	snop  }
0x6: {  	_ = 	snop  }
0x7: {  	_ = 	snop  }
__scs_overlays_trampoline_lowered:
0x8: {  	[smem:$0x3FAE] =	sst s0  }
0x9: {  	[smem:$0x3FAF] =	sst s1  }
0xa: {  	[smem:$0x3FB0] =	sst s2  }
0xb: {  	[smem:$0x3FB1] =	sst s3  }
0xc: {  	[smem:$0x3FB2] =	sst s4  }
0xd: {  	[smem:$0x3FB3] =	sst s5  }
0xe: {  	[smem:$0x3FB4] =	sst s6  }
0xf: {  	[smem:$0x3FB5] =	sst s7  }
0x10: {  	[smem:$0x3FB6] =	sst s8  }
0x11: {  	[smem:$0x3FB7] =	sst s9;
	s0 =	simm.s32 @!p0 $0x0  }
0x12: {  	s1 =	sld [smem:$0x3F9D];
	s0 =	simm.s32 @p0 $0x1  }
0x13: {  	[smem:$0x3FB8] =	sst s0;
	s0 =	simm.s32 @!p1 $0x0  }
0x14: {  	s2 =	sld [smem:$0x3F9C];
	s0 =	simm.s32 @p1 $0x1  }
0x15: {  	[smem:$0x3FB9] =	sst s0;
	s0 =	simm.s32 @!p2 $0x0  }
0x16: {  	s3 =	sld [smem:$0x3FDB];
	s0 =	simm.s32 @p2 $0x1  }
0x17: {  	s4 =	simm.s32 $0x1BF5;
	[smem:$0x3FBB] =	sst s0  }
0x18: {  	s0 =	sld [smem:$0x3F9E];
	_ =	swait.ge [sflag:s4], $0x0  }
0x19: {  	s7 =	sld [smem:$0x3F9F]  }
0x1a: {  	s8 =	sadd.s32 $0xFFFFE003, lr  }
0x1b: {  	s9 =	sadd.s32 $0xFFFFFEF7, lr;
	s5 =	simm.s32 $0xFFFFFFFF;
	p2 =	slt.u32 s8, $0xFFFFF086  }
0x1c: {  	p1 =	slt.u32 s9, $0xF7A;
	s5 =	simm.s32 @!p2 $0x0  }
0x1d: {  	s5 =	simm.s32 @p1 $0x1;
	p0 =	seq.s32 s7, s2  }
0x1e: {  	s7 =	smul.u32 @!p0 $0xF7A, s2;
	p2 =	seq.s32 @!p0 s5, $0x0  }
0x1f: {  	s9 =	smul.u32 $0xF7A, s1;
	s8 =	simm.s32 @!p0 $0x1BF5;
	p2 =	por !p2, p0  }
0x20: {  	[sflag:s8] =	ssyncset.s32 @!p0 $0xFFFFF086;
	s6 =	sadd.s32 @!p0 s3, s7;
	s7 =	simm.s32 @!p0 $0x108  }
0x21: {  	s3 =	sadd.s32 s3, s9;
	s6 =	sadd.s32 @!p0 $0x88, s6;
	s7 =	simm.s32 @p2 $0x1082  }
0x22: {  	[simem:s7], [sflag:s8] =	dma.local @!p0 [hbm:s6], $0xF7A  }
0x23: {  	s9 =	sor.u32 $0xD0000000, s2;
	s6 =	simm.s32 $0x108;
	_ =	swait.ge @!p0 [sflag:s8], $0x0  }
0x24: {  	s3 =	sadd.s32 $0x88, s3;
	s6 =	simm.s32 @!p1 $0x1082;
	[sflag:s4] =	ssyncset.s32 $0xFFFFF086  }
0x25: {  	[simem:s6], [sflag:s4] =	dma.local [hbm:s3], $0xF7A  }
0x26: {  	[smem:$0x3F9F] =	sst s1;
	(tag) =	ssettag s2;
	_ =	strace s9  }
0x27: {  	s1 =	sld [smem:$0x3FAF]  }
0x28: {  	s2 =	sld [smem:$0x3FB0]  }
0x29: {  	s4 =	sld [smem:$0x3FB2]  }
0x2a: {  	p0 =	seq.s32 s5, $0x0;
	s5 =	sld [smem:$0x3FB3]  }
0x2b: {  	s6 =	sld [smem:$0x3FB4]  }
0x2c: {  	s7 =	sld [smem:$0x3FB5]  }
0x2d: {  	s3 =	simm.s32 $0x108;
	s8 =	sld [smem:$0x3FB6]  }
0x2e: {  	s3 =	simm.s32 @!p0 $0x1082;
	s9 =	sld [smem:$0x3FB7]  }
0x2f: {  	lr =	sadd.s32 s0, s3;
	s0 =	sld [smem:$0x3FAE]  }
0x30: {  	s3 =	sld [smem:$0x3FB1]  }
0x31: {  	[smem:$0x3FBA] =	sst s10  }
0x32: {  	s10 =	sld [smem:$0x3FB8];
	_ =	sdelay $0x3  }
0x33: {  	p0 =	seq.s32 s10, $0x1;
	s10 =	sld [smem:$0x3FBA];
	_ =	sdelay $0x3  }
0x34: {  	[smem:$0x3FBA] =	sst s10  }
0x35: {  	s10 =	sld [smem:$0x3FB9];
	_ =	sdelay $0x3  }
0x36: {  	p1 =	seq.s32 s10, $0x1;
	s10 =	sld [smem:$0x3FBA];
	_ =	sdelay $0x3  }
0x37: {  	[smem:$0x3FBA] =	sst s10  }
0x38: {  	s10 =	sld [smem:$0x3FBB]  }
0x39: {  	_ = 	snop;
	(pc) =	sbr.ind lr, $3  }
0x3a: {  	_ = 	snop  }
0x3b: {  	_ = 	snop  }
0x3c: {  	p2 =	seq.s32 s10, $0x1;
	s10 =	sld [smem:$0x3FBA]  }
0x3d: {  	_ =	shalt  }
0x3e: {  	_ =	shalt  }
0x3f: {  	_ =	shalt  }
0x40: {  	_ =	shalt  }
0x41: {  	_ =	shalt  }
0x42: {  	_ =	shalt  }
0x43: {  	_ =	shalt  }
0x44: {  	_ =	shalt  }
0x45: {  	_ =	shalt  }
0x46: {  	_ =	shalt  }
0x47: {  	_ =	shalt  }
0x48: {  	_ =	shalt  }
0x49: {  	_ =	shalt  }
0x4a: {  	_ =	shalt  }
0x4b: {  	_ =	shalt  }
0x4c: {  	_ =	shalt  }
0x4d: {  	_ =	shalt  }
0x4e: {  	_ =	shalt  }
0x4f: {  	_ =	shalt  }
0x50: {  	_ =	shalt  }
0x51: {  	_ =	shalt  }
0x52: {  	_ =	shalt  }
0x53: {  	_ =	shalt  }
0x54: {  	_ =	shalt  }
0x55: {  	_ =	shalt  }
0x56: {  	_ =	shalt  }
0x57: {  	_ =	shalt  }
0x58: {  	_ =	shalt  }
0x59: {  	_ =	shalt  }
0x5a: {  	_ =	shalt  }
0x5b: {  	_ =	shalt  }
0x5c: {  	_ =	shalt  }
0x5d: {  	_ =	shalt  }
0x5e: {  	_ =	shalt  }
0x5f: {  	_ =	shalt  }
0x60: {  	_ =	shalt  }
0x61: {  	_ =	shalt  }
0x62: {  	_ =	shalt  }
0x63: {  	_ =	shalt  }
0x64: {  	_ =	shalt  }
0x65: {  	_ =	shalt  }
0x66: {  	_ =	shalt  }
0x67: {  	_ =	shalt  }
0x68: {  	_ =	shalt  }
0x69: {  	_ =	shalt  }
0x6a: {  	_ =	shalt  }
0x6b: {  	_ =	shalt  }
0x6c: {  	_ =	shalt  }
0x6d: {  	_ =	shalt  }
0x6e: {  	_ =	shalt  }
0x6f: {  	_ =	shalt  }
0x70: {  	_ =	shalt  }
0x71: {  	_ =	shalt  }
0x72: {  	_ =	shalt  }
0x73: {  	_ =	shalt  }
0x74: {  	_ =	shalt  }
0x75: {  	_ =	shalt  }
0x76: {  	_ =	shalt  }
0x77: {  	_ =	shalt  }
0x78: {  	_ =	shalt  }
0x79: {  	_ =	shalt  }
0x7a: {  	_ =	shalt  }
0x7b: {  	_ =	shalt  }
0x7c: {  	_ =	shalt  }
0x7d: {  	_ =	shalt  }
0x7e: {  	_ =	shalt  }
0x7f: {  	_ =	shalt  }
0x80: {  	_ =	shalt  }
0x81: {  	_ =	shalt  }
0x82: {  	_ =	shalt  }
0x83: {  	_ =	shalt  }
0x84: {  	_ =	shalt  }
0x85: {  	_ =	shalt  }
0x86: {  	_ =	shalt  }
0x87: {  	_ =	shalt  }
.Lfunc_end0:
.L_simem_size_0:
called_computation_lowered:
.L_overlay_start_0:
0x88: {  	s2 =	sld [smem:$0x3FD9]  }
0x89: {  	s3 =	sld [smem:$0x3FFE];
	_ =	sdelay $0x1  }
0x8a: {  	s1 =	srdreg.scid  }
0x8b: {  	s0 =	sand.u32 $0x1, s1  }
0x8c: {  	s18 =	sshll.u32 s0, $0xA;
	s2 =	sadd.s32 s3, s2  }
0x8d: {  	s2 =	sadd.s32 s2, s18  }
0x8e: {  	[smem:$0x3FC6] =	sst s2  }
0x8f: {  	_ = 	snop  }
0x90: {  	s2 =	sld [smem:$0x3FC9]  }
0x91: {  	s19 =	sld [smem:$0x3FC8]  }
0x92: {  	s4 =	sld [smem:$0x3FD0];
	(tm) =	ssettm $0x1  }
0x93: {  	s5 =	sld [smem:$0x3FFB];
	_ =	sdelay $0x3  }
0x94: {  	_ =	strace s5  }
0x95: {  	s5 =	sld [smem:$0x3FFC];
	_ =	sdelay $0x3  }
0x96: {  	_ =	strace s5  }
0x97: {  	s5 =	sld [smem:$0x3FFD];
	_ =	sdelay $0x3  }
0x98: {  	_ =	strace s5  }
0x99: {  	_ =	strace $0x8FFFFFFF  }
0x9a: {  	s20 =	sld [smem:$0x3FDB];
	_ =	sdelay $0x1  }
0x9b: {  	s6 =	simm.s32 $_scs_section_size  }
0x9c: {  	s7 =	simm.s32 $_size__tile_overlayer_lowered;
	s8 =	simm.s32 $_tile_overlayer_lowered  }
0x9d: {  	s23 =	simm.s32 $0x1BFF;
	s22 =	sshll.u32 s8, $0x1;
	s5 =	sadd.s32 s6, s20  }
0x9e: {  	s9 =	simm.s32 $0x0;
	s21 =	sshll.u32 s7, $0x1;
	s7 =	sadd.s32 s22, s5  }
0x9f: {  	[timem:s9], [sflag:s23] =	dma.local [hbm:s7], s21  }
0xa0: {  	_ =	swait.ge [sflag:s23], s21  }
0xa1: {  	s6 =	ssub.s32 $0x0, s21;
	[sflag:s23] =	ssyncset.done $0x0  }
0xa2: {  	[sflag:s23] =	ssyncadd.s32 s6;
	_ =	sdelay $0x1  }
0xa3: {  	s24 =	simm.s32 $0x1B8B  }
0xa4: {  	_ =	swait.ge [sflag:s24], $0x1  }
0xa5: {  	[sflag:s24] =	ssyncset.done $0x0  }
0xa6: {  	s25 =	simm.s32 $0x1B8E;
	[sflag:s24] =	ssyncadd.s32 $0xFFFFFFFF  }
0xa7: {  	s26 =	simm.s32 $execute0_lowered;
	[smem:$0x3FD2] =	sst s25  }
0xa8: {  	s6 =	sshll.u32 s26, $0x1;
	_ =	strace $0x80000046;
	[dreg:$0x1] =	wrdreg $0xFFFFFFFF  }
0xa9: {  	s28 =	simm.s32 $_size_execute0_lowered;
	s5 =	sadd.s32 s5, s6;
	[dreg:$0x0] =	wrdreg $0x0  }
0xaa: {  	s6 =	sshll.u32 s28, $0x1;
	[dreg:$0x2] =	wrdreg s5  }
0xab: {  	[dreg:$0x3] =	wrdreg s6  }
0xac: {  	[dreg:$0x4] =	wrdreg $0xC0  }
0xad: {  	_ =	task [dreg:s9], $0x5FFFF  }
0xae: {  	[dreg:$0x1] =	wrdreg $0xFFFFFFFF  }
0xaf: {  	[dreg:$0x0] =	wrdreg $0x60  }
0xb0: {  	[dreg:$0x2] =	wrdreg s2  }
0xb1: {  	[dreg:$0x3] =	wrdreg s19  }
0xb2: {  	[dreg:$0x4] =	wrdreg s4  }
0xb3: {  	[dreg:$0x5] =	wrdreg $0x9  }
0xb4: {  	_ =	task.clear_ibuf [dreg:s9], $0x6FFFF;
	_ =	strace $0x90000046  }
0xb5: {  	s29 =	simm.s32 $0x9;
	_ =	strace $0x80000048  }
0xb6: {  	_ =	swait.ge [sflag:s29], $0x1  }
0xb7: {  	[sflag:s29] =	ssyncadd.s32 $0xFFFFFFFF  }
0xb8: {  	_ =	strace $0x90000048  }
0xb9: {  	_ =	sfence  }
0xba: {  	s30 =	sld [smem:$0x0];
	_ =	sdelay $0x2  }
0xbb: {  	s31 =	sshll.u32 s1, $0xD;
	s1 =	sshrl.u32 s1, $0x2  }
0xbc: {  	s3 =	sand.u32 $0x4000, s31;
	s1 =	sadd.s32 s1, s30  }
0xbd: {  	s0 =	sor.u32 s3, s0;
	s1 =	sshll.u32 s1, $0x11  }
0xbe: {  	s0 =	sor.u32 s1, s0  }
0xbf: {  	s0 =	sadd.s32 $0x8F2B, s0  }
0xc0: {  	[sflag:s0] =	ssyncadd.remote.s32 $0x1  }
0xc1: {  	_ =	sfence.sel $0xFFFF  }
0xc2: {  	[dreg:$0x0] =	wrdreg $0xFFFFFFFF;
	(pc) =	sbr.abs _section_cstart, $3  }
0xc3: {  	[dreg:$0x1] =	wrdreg $0xFFFFFFFF  }
0xc4: {  	_ =	task.clear_ibuf [dreg:s9], $0x2FFFF;
	_ =	strace $0x9FFFFFFF  }
0xc5: {  	(tm) =	ssettm $0x7FFFFFFF  }
tec
execute0_lowered:
.L_overlay_start_1:
0x0: {  	(tag) =	ssettag $0x1  }
0x1: {  	v2 =	vimm.s32 $0x8040201;
	v5 =	vimm.s32 $0x804020  }
0x2: {  	vm0 =	vcmask $0xF00;
	v3 =	vunpack.c.0.s8.s32 v2;
	v2 =	vimm.s32 $0x80402010  }
0x3: {  	vm7 =	vcmask $0x1B10;
	v4 =	vunpack.c.0.s8.s32 v2;
	v2 =	vimm.s32 $0x10080402  }
0x4: {  	s1 =	rddreg [dreg:$0x0];
	vm1 =	vcmask $0x1F10;
	v5 =	vunpack.c.0.s8.s32 v5;
	v6 =	vunpack.c.0.s8.s32 v2  }
0x5: {  	s0 =	stileid.u32;
	s2 =	rddreg [dreg:$0x1];
	vm8 =	vcmask $0x1F1C;
	vm9 =	vcmask $0x2320;
	vm10 =	vcmask $0x2724  }
0x6: {  	s3 =	srdreg.scid;
	s8 =	rddreg [dreg:$0x2];
	vm11 =	vcmask $0x2B28;
	v5 =	vand.u32 $0xFF, v5;
	v6 =	vnsel vm0, $0x10000, v6  }
0x7: {  	s4 =	simm.s32 $0x0;
	s13 =	simm.s32 $0x1;
	s14 =	simm.s32 $0x3F00;
	v3 =	vnsel vm0, $0x8000, v3;
	v4 =	vand.u32 $0xFF, v4;
	v5 =	vsel vm7, v5, v6  }
0x8: {  	vm12 =	vcmask $0x2F2C;
	s15 =	simm.s32 $0x5E80;
	s16 =	simm.s32 $0x7E00;
	s17 =	simm.s32 $0x2;
	v3 =	vsel vm1, v4, v3;
	v4 =	vsel vm8, $0x100, v5  }
0x9: {  	vm13 =	vcmask $0x3330;
	s18 =	simm.s32 $0x3;
	s9 =	sand.u32 $0x1, s3;
	s3 =	rddreg [dreg:$0x3];
	v3 =	vsel vm9, $0x100, v3;
	v4 =	vsel vm9, $0x200, v4  }
0xa: {  	vm14 =	vcmask $0x3734;
	s19 =	simm.s32 $0x0;
	[smem:$0x7FF] =	sst s4;
	s12 =	sshll.u32 s0, $0xD;
	v3 =	vsel vm10, $0x200, v3;
	v4 =	vsel vm10, $0x400, v4  }
0xb: {  	v1 =	vlaneseq.u32;
	s5 =	smul.u32 $0x1E8480, s9;
	s6 =	ssub.s32 $0x2, s9;
	_ =	strace $0x80000047;
	v3 =	vsel vm11, $0x400, v3;
	v4 =	vsel vm11, $0x800, v4  }
0xc: {  	vm15 =	vcmask $0x3B38;
	s31 =	sshll.u32 s9, $0x11;
	s12 =	sadd.s32 s8, s12;
	s7 =	sshrl.u32 s6, $0x1;
	v3 =	vsel vm12, $0x800, v3;
	v4 =	vsel vm12, $0x1000, v4  }
0xd: {  	v0 =	vmov s0;
	s10 =	sshrl.u32 s5, $0x3;
	s11 =	ssub.s32 s6, s7;
	s8 =	sadd.s32 $0x1F40, s5;
	v3 =	vsel vm13, $0x1000, v3;
	v4 =	vsel vm13, $0x2000, v4  }
0xe: {  	v2 =	vand.u32 $0x7, v1;
	s9 =	sadd.s32 $0x3E80, s5;
	s6 =	sadd.s32 s1, s10;
	s7 =	sadd.s32 s2, s10;
	v5 =	vsel vm14, $0x2000, v3;
	v6 =	vsel vm14, $0x4000, v4  }
0xf: {  	s10 =	sadd.s32 s31, s12;
	s11 =	smax.u32 s11, $0x1;
	s12 =	simm.s32 $0x1F80;
	v3 =	vimm.s32 $0x0;
	v4 =	vsel vm15, $0x4000, v5;
	v5 =	vsel vm15, $0x8000, v6  }
.LBB2_1:
0x10: {  	s20 =	simm.s32 $0x40;
	s21 =	simm.s32 $0x0  }
.LBB2_2:
0x11: {  	p0 =	sne.s32 s20, $0x3FFC0;
	[tilespmem:s21+$0x7E00] =	vst v2;
	s21 =	smov.u32 s20;
	s20 =	sadd.s32 $0x40, s20  }
.Ltmp0:
0x12: {  	(pc) =	sbr.rel @p0 .LBB2_2-.Ltmp0, $2  }
0x13: {  	_ =	sdelay $0x2  }
0x14: {  	s21 =	sshra.s32 s21, $0x2  }
0x15: {  	[tilespmem:s21+$0x7E00] =	vst v2;
	s20 =	simm.s32 $0x0  }
0x16: {  	[tilespmem:s20], [sflag:$0x1] =	stream.linear.gather [hbm4b:s6+s20], $0x1F40, $0x38;
	[tilespmem:$0x17E00] =	vst v63  }
0x17: {  	s21 =	smov.u32 s5;
	s22 =	simm.s32 $0x0  }
0x18: {  	[tilespmem:s12], [sflag:$0x1] =	stream.linear.gather [hbm4b:s7+s20], $0x1F40, $0x38;
	[tilespmem:$0x17E00] =	vst v63  }
.LBB2_4:
0x19: {  	_ =	swait.ge [sflag:s13], $0x1F40  }
0x1a: {  	s23 =	smul.u32 $0x3E80, s22;
	[sflag:s13] =	ssyncset.done $0x0  }
0x1b: {  	[sflag:s13] =	ssyncadd.s32 $0xFFFFE0C0  }
0x1c: {  	s24 =	sadd.s32 s23, s8;
	_ =	swait.ge [sflag:s13], $0x1F40  }
0x1d: {  	s24 =	sshrl.u32 s24, $0x3;
	[sflag:s13] =	ssyncset.done $0x0  }
0x1e: {  	s25 =	sadd.s32 s1, s24;
	[sflag:s13] =	ssyncadd.s32 $0xFFFFE0C0  }
0x1f: {  	[tilespmem:s14], [sflag:$0x2] =	stream.linear.gather [hbm4b:s25+s20], $0x1F40, $0x38;
	[tilespmem:$0x17E00] =	vst v63  }
0x20: {  	s24 =	sadd.s32 s2, s24  }
0x21: {  	[tilespmem:s15], [sflag:$0x2] =	stream.linear.gather [hbm4b:s24+s20], $0x1F40, $0x38;
	[tilespmem:$0x17E00] =	vst v63  }
0x22: {  	s26 =	simm.s32 $0x0;
	s25 =	simm.s32 $0x20;
	s24 =	simm.s32 $0x1FA0  }
.LBB2_5:
0x23: {  	v6 =	vld [tilespmem:s25+$0xFFFFFFE0];
	_ =	sdelay $0x1  }
0x24: {  	v7 =	vld [tilespmem:s24+$0xFFFFFFE0];
	_ =	sdelay $0x2  }
0x25: {  	v8 =	vshll.u32 v6, $0xA  }
0x26: {  	v6 =	vshrl.u32 v6, $0x6;
	v8 =	vand.u32 $0xFC00, v8  }
0x27: {  	vm0 =	veq.s32 v6, v0;
	v6 =	vadd.s32 v7, v8  }
0x28: {  	v6 =	vnsel vm0, $0x0, v6;
	_ =	sdelay $0x4  }
0x29: {  	[tilespmem:v6+s16+$0x0] =	vst.idx.msk vm0, v3  }
0x2a: {  	[tilespmem:v6+s16+$0x0] =	vst.idx.add.s32.msk vm0, v4  }
0x2b: {  	v7 =	vld.idx.msk [tilespmem:v6+s16+$0x0], vm0;
	_ =	sdelay $0x4  }
0x2c: {  	vm1 =	vlt.s32 v7, v5  }
0x2d: {  	vm0 =	vmand vm0, vm1;
	_ =	sdelay $0x2  }
0x2e: {  	s28 =	sadd.s32 s26, s21  }
0x2f: {  	s29 =	sadd.s32 $0x8, s28  }
0x30: {  	v7 =	vadd.s32 s29, v1  }
0x31: {  	[tilespmem:v6+s16+$0x0] =	vst.idx.msk vm0, v7  }
0x32: {  	v6 =	vld [tilespmem:s25+$0xFFFFFFF0];
	_ =	sdelay $0x1  }
0x33: {  	v7 =	vld [tilespmem:s24+$0xFFFFFFF0];
	_ =	sdelay $0x2  }
0x34: {  	v61 =	vshll.u32 v6, $0xA  }
0x35: {  	v6 =	vshrl.u32 v6, $0x6;
	v8 =	vand.u32 $0xFC00, v61  }
0x36: {  	vm10 =	veq.s32 v6, v0;
	v6 =	vadd.s32 v7, v8  }
0x37: {  	v6 =	vnsel vm10, $0x0, v6;
	_ =	sdelay $0x4  }
0x38: {  	[tilespmem:v6+s16+$0x0] =	vst.idx.msk vm10, v3  }
0x39: {  	[tilespmem:v6+s16+$0x0] =	vst.idx.add.s32.msk vm10, v4  }
0x3a: {  	v7 =	vld.idx.msk [tilespmem:v6+s16+$0x0], vm10;
	_ =	sdelay $0x4  }
0x3b: {  	vm11 =	vlt.s32 v7, v5  }
0x3c: {  	vm0 =	vmand vm10, vm11;
	_ =	sdelay $0x3  }
0x3d: {  	s30 =	sadd.s32 $0x18, s28  }
0x3e: {  	v7 =	vadd.s32 s30, v1  }
0x3f: {  	[tilespmem:v6+s16+$0x0] =	vst.idx.msk vm0, v7  }
0x40: {  	v6 =	vld [tilespmem:s25+$0x0];
	_ =	sdelay $0x1  }
0x41: {  	v7 =	vld [tilespmem:s24+$0x0];
	_ =	sdelay $0x2  }
0x42: {  	v62 =	vshll.u32 v6, $0xA  }
0x43: {  	v6 =	vshrl.u32 v6, $0x6;
	v8 =	vand.u32 $0xFC00, v62  }
0x44: {  	vm12 =	veq.s32 v6, v0;
	v6 =	vadd.s32 v7, v8  }
0x45: {  	v6 =	vnsel vm12, $0x0, v6;
	_ =	sdelay $0x4  }
0x46: {  	[tilespmem:v6+s16+$0x0] =	vst.idx.msk vm12, v3  }
0x47: {  	[tilespmem:v6+s16+$0x0] =	vst.idx.add.s32.msk vm12, v4  }
0x48: {  	v7 =	vld.idx.msk [tilespmem:v6+s16+$0x0], vm12;
	_ =	sdelay $0x4  }
0x49: {  	vm13 =	vlt.s32 v7, v5  }
0x4a: {  	vm0 =	vmand vm12, vm13;
	_ =	sdelay $0x3  }
0x4b: {  	s31 =	sadd.s32 $0x28, s28  }
0x4c: {  	v7 =	vadd.s32 s31, v1  }
0x4d: {  	[tilespmem:v6+s16+$0x0] =	vst.idx.msk vm0, v7  }
0x4e: {  	v6 =	vld [tilespmem:s25+$0x10];
	_ =	sdelay $0x1  }
0x4f: {  	v7 =	vld [tilespmem:s24+$0x10];
	_ =	sdelay $0x2  }
0x50: {  	v63 =	vshll.u32 v6, $0xA  }
0x51: {  	v6 =	vshrl.u32 v6, $0x6;
	v8 =	vand.u32 $0xFC00, v63  }
0x52: {  	vm14 =	veq.s32 v6, v0;
	v6 =	vadd.s32 v7, v8  }
0x53: {  	v6 =	vnsel vm14, $0x0, v6;
	_ =	sdelay $0x4  }
0x54: {  	[tilespmem:v6+s16+$0x0] =	vst.idx.msk vm14, v3  }
0x55: {  	[tilespmem:v6+s16+$0x0] =	vst.idx.add.s32.msk vm14, v4  }
0x56: {  	v7 =	vld.idx.msk [tilespmem:v6+s16+$0x0], vm14;
	_ =	sdelay $0x4  }
0x57: {  	vm15 =	vlt.s32 v7, v5  }
0x58: {  	vm0 =	vmand vm14, vm15  }
0x59: {  	p0 =	sne.s32 s26, $0x1F00  }
.Ltmp1:
0x5a: {  	_ = 	snop;
	(pc) =	sbr.rel @p0 .LBB2_5-.Ltmp1, $4  }
0x5b: {  	_ = 	snop  }
0x5c: {  	s28 =	sadd.s32 $0x38, s28  }
0x5d: {  	v7 =	vadd.s32 s28, v1  }
0x5e: {  	s26 =	sadd.s32 $0x40, s26;
	s24 =	sadd.s32 $0x40, s24;
	s25 =	sadd.s32 $0x40, s25;
	[tilespmem:v6+s16+$0x0] =	vst.idx.msk vm0, v7  }
0x5f: {  	_ =	swait.ge [sflag:s17], $0x1F40  }
0x60: {  	[sflag:s17] =	ssyncset.done $0x0  }
0x61: {  	p0 =	seq.s32 s22, $0x7C;
	[sflag:s17] =	ssyncadd.s32 $0xFFFFE0C0  }
0x62: {  	s23 =	sadd.s32 @!p0 s23, s9;
	_ =	swait.ge [sflag:s17], $0x1F40  }
0x63: {  	s23 =	sshrl.u32 @!p0 s23, $0x3;
	[sflag:s17] =	ssyncset.done $0x0  }
0x64: {  	s25 =	simm.s32 @!p0 $0x0;
	s24 =	sadd.s32 @!p0 s1, s23;
	[sflag:s17] =	ssyncadd.s32 $0xFFFFE0C0  }
0x65: {  	[tilespmem:s25], [sflag:$0x1] =	stream.linear.gather @!p0 [hbm4b:s24+s25], $0x1F40, $0x38;
	[tilespmem:$0x17E00] =	vst v63  }
0x66: {  	s23 =	sadd.s32 @!p0 s2, s23;
	s24 =	simm.s32 @!p0 $0x1F80  }
0x67: {  	[tilespmem:s24], [sflag:$0x1] =	stream.linear.gather @!p0 [hbm4b:s23+s25], $0x1F40, $0x38;
	[tilespmem:$0x17E00] =	vst v63  }
0x68: {  	s23 =	simm.s32 $0x0;
	s24 =	simm.s32 $0x5EA0;
	s25 =	simm.s32 $0x3F20  }
.LBB2_7:
0x69: {  	v6 =	vld [tilespmem:s25+$0xFFFFFFE0];
	_ =	sdelay $0x1  }
0x6a: {  	v7 =	vld [tilespmem:s24+$0xFFFFFFE0];
	_ =	sdelay $0x2  }
0x6b: {  	v8 =	vshll.u32 v6, $0xA  }
0x6c: {  	v6 =	vshrl.u32 v6, $0x6;
	v8 =	vand.u32 $0xFC00, v8  }
0x6d: {  	vm0 =	veq.s32 v6, v0;
	v6 =	vadd.s32 v7, v8  }
0x6e: {  	v6 =	vnsel vm0, $0x0, v6;
	_ =	sdelay $0x4  }
0x6f: {  	[tilespmem:v6+s16+$0x0] =	vst.idx.msk vm0, v3  }
0x70: {  	[tilespmem:v6+s16+$0x0] =	vst.idx.add.s32.msk vm0, v4  }
0x71: {  	v7 =	vld.idx.msk [tilespmem:v6+s16+$0x0], vm0;
	_ =	sdelay $0x4  }
0x72: {  	vm1 =	vlt.s32 v7, v5  }
0x73: {  	vm0 =	vmand vm0, vm1;
	_ =	sdelay $0x2  }
0x74: {  	s26 =	sadd.s32 s23, s21  }
0x75: {  	s28 =	sadd.s32 $0x1F48, s26  }
0x76: {  	v7 =	vadd.s32 s28, v1  }
0x77: {  	[tilespmem:v6+s16+$0x0] =	vst.idx.msk vm0, v7  }
0x78: {  	v6 =	vld [tilespmem:s25+$0xFFFFFFF0];
	_ =	sdelay $0x1  }
0x79: {  	v7 =	vld [tilespmem:s24+$0xFFFFFFF0];
	_ =	sdelay $0x2  }
0x7a: {  	v61 =	vshll.u32 v6, $0xA  }
0x7b: {  	v6 =	vshrl.u32 v6, $0x6;
	v8 =	vand.u32 $0xFC00, v61  }
0x7c: {  	vm10 =	veq.s32 v6, v0;
	v6 =	vadd.s32 v7, v8  }
0x7d: {  	v6 =	vnsel vm10, $0x0, v6;
	_ =	sdelay $0x4  }
0x7e: {  	[tilespmem:v6+s16+$0x0] =	vst.idx.msk vm10, v3  }
0x7f: {  	[tilespmem:v6+s16+$0x0] =	vst.idx.add.s32.msk vm10, v4  }
0x80: {  	v7 =	vld.idx.msk [tilespmem:v6+s16+$0x0], vm10;
	_ =	sdelay $0x4  }
0x81: {  	vm11 =	vlt.s32 v7, v5  }
0x82: {  	vm0 =	vmand vm10, vm11;
	_ =	sdelay $0x3  }
0x83: {  	s30 =	sadd.s32 $0x1F58, s26  }
0x84: {  	v7 =	vadd.s32 s30, v1  }
0x85: {  	[tilespmem:v6+s16+$0x0] =	vst.idx.msk vm0, v7  }
0x86: {  	v6 =	vld [tilespmem:s25+$0x0];
	_ =	sdelay $0x1  }
0x87: {  	v7 =	vld [tilespmem:s24+$0x0];
	_ =	sdelay $0x2  }
0x88: {  	v62 =	vshll.u32 v6, $0xA  }
0x89: {  	v6 =	vshrl.u32 v6, $0x6;
	v8 =	vand.u32 $0xFC00, v62  }
0x8a: {  	vm12 =	veq.s32 v6, v0;
	v6 =	vadd.s32 v7, v8  }
0x8b: {  	v6 =	vnsel vm12, $0x0, v6;
	_ =	sdelay $0x4  }
0x8c: {  	[tilespmem:v6+s16+$0x0] =	vst.idx.msk vm12, v3  }
0x8d: {  	[tilespmem:v6+s16+$0x0] =	vst.idx.add.s32.msk vm12, v4  }
0x8e: {  	v7 =	vld.idx.msk [tilespmem:v6+s16+$0x0], vm12;
	_ =	sdelay $0x4  }
0x8f: {  	vm13 =	vlt.s32 v7, v5  }
0x90: {  	vm0 =	vmand vm12, vm13;
	_ =	sdelay $0x3  }
0x91: {  	s31 =	sadd.s32 $0x1F68, s26  }
0x92: {  	v7 =	vadd.s32 s31, v1  }
0x93: {  	[tilespmem:v6+s16+$0x0] =	vst.idx.msk vm0, v7  }
0x94: {  	v6 =	vld [tilespmem:s25+$0x10];
	_ =	sdelay $0x1  }
0x95: {  	v7 =	vld [tilespmem:s24+$0x10];
	_ =	sdelay $0x2  }
0x96: {  	v63 =	vshll.u32 v6, $0xA  }
0x97: {  	v6 =	vshrl.u32 v6, $0x6;
	v8 =	vand.u32 $0xFC00, v63  }
0x98: {  	vm14 =	veq.s32 v6, v0;
	v6 =	vadd.s32 v7, v8  }
0x99: {  	v6 =	vnsel vm14, $0x0, v6;
	_ =	sdelay $0x4  }
0x9a: {  	[tilespmem:v6+s16+$0x0] =	vst.idx.msk vm14, v3  }
0x9b: {  	[tilespmem:v6+s16+$0x0] =	vst.idx.add.s32.msk vm14, v4  }
0x9c: {  	v7 =	vld.idx.msk [tilespmem:v6+s16+$0x0], vm14;
	_ =	sdelay $0x4  }
0x9d: {  	vm15 =	vlt.s32 v7, v5  }
0x9e: {  	vm0 =	vmand vm14, vm15  }
0x9f: {  	p0 =	sne.s32 s23, $0x1F00  }
.Ltmp2:
0xa0: {  	_ = 	snop;
	(pc) =	sbr.rel @p0 .LBB2_7-.Ltmp2, $4  }
0xa1: {  	_ = 	snop  }
0xa2: {  	s26 =	sadd.s32 $0x1F78, s26  }
0xa3: {  	v7 =	vadd.s32 s26, v1  }
0xa4: {  	s23 =	sadd.s32 $0x40, s23;
	s24 =	sadd.s32 $0x40, s24;
	s25 =	sadd.s32 $0x40, s25;
	[tilespmem:v6+s16+$0x0] =	vst.idx.msk vm0, v7  }
0xa5: {  	s22 =	sadd.s32 $0x1, s22  }
0xa6: {  	p0 =	sne.s32 s22, $0x7D  }
.Ltmp3:
0xa7: {  	_ = 	snop;
	(pc) =	sbr.rel @p0 .LBB2_4-.Ltmp3, $2  }
0xa8: {  	_ =	sdelay $0x2  }
0xa9: {  	s21 =	sadd.s32 $0x3E80, s21  }
0xaa: {  	s19 =	sadd.s32 $0x1, s19  }
0xab: {  	p0 =	sne.s32 s19, s11  }
.Ltmp4:
0xac: {  	_ = 	snop;
	(pc) =	sbr.rel @p0 .LBB2_1-.Ltmp4, $4  }
0xad: {  	[hbm4b:s10+s4] =	stream.linear.scatter [tilespmem:s16], [sflag:$0x3], $0x10000, $0x38;
	[tilespmem:$0x17E00] =	vst v63  }
0xae: {  	_ =	swait.ge [sflag:s18], $0x10000  }
0xaf: {  	[sflag:s18] =	ssyncset.done $0x0  }
0xb0: {  	[sflag:s18] =	ssyncadd.s32 $0xFFFF0000  }
0xb1: {  	_ =	sfence.sel $0x180000  }
0xb2: {  	[bflag:$0x0] =	sbarrier.arrive $0xFFFF  }
0xb3: {  	p0 =	sne.s32 s0, $0x0;
	_ =	strace $0x90000047  }
0xb4: {  	s0 =	sadd.s32 @!p0 $0x100000, s3;
	[bflag:$0x2] =	sbarrier.arrive $0xFFFF  }
0xb5: {  	[sflag:s0] =	ssyncadd.tile.s32 @!p0 $0x1;
	_ =	shalt  }
.Lfunc_end2:
_tile_overlayer_lowered:
.L_overlay_start_2:
0xb6: {  	(tag) =	ssettag $0x2  }
0xb7: {  	s0 =	rddreg [dreg:$0x0];
	s2 =	stileid.u32  }
0xb8: {  	s1 =	rddreg [dreg:$0x1];
	p0 =	sne.s32 s2, $0x0  }
0xb9: {  	s3 =	rddreg [dreg:$0x2];
	[bflag:$0x3] =	sbarrier.arrive $0xFFFF;
	s2 =	simm.s32 @!p0 $0x1C03  }
0xba: {  	[timem:s3], [sflag:s2] =	dma.local @!p0 [hbm:s0], s1  }
0xbb: {  	s0 =	simm.s32 @!p0 $0x3  }
0xbc: {  	_ =	swait.ge @!p0 [sflag:s0], s1  }
0xbd: {  	s1 =	ssub.s32 @!p0 $0x0, s1;
	[sflag:s0] =	ssyncset.done @!p0 $0x0  }
0xbe: {  	[sflag:s0] =	ssyncadd.s32 @!p0 s1  }
0xbf: {  	[bflag:$0x3] =	sbarrier.arrive $0xFFFF  }
0xc0: {  	_ =	shalt  }

</sc_bundles>
